<compile_context>
chip_gen: v7x
topology: tpu7x:2x2x1
jax: 0.10.2.dev20260603
libtpu: 0.0.44.dev20260713+nightly
codegen_flags: <defaults>
</compile_context>

<pallas_src>
import jax
import jax.numpy as jnp
from jax.experimental import pallas as pl

_N_RATE = 6
_N_YEAR = 91
_N_GENRE = 25
_N_DIRECTOR = 2186
_EMB = 16
_X2_COLS = 2 + _N_GENRE + _N_DIRECTOR
_TPAD = 128
_BM = 1024
_XPAD = 2304


def _tc_body(x8_ref, wc_ref, tab_ref, out_ref):
    xb = x8_ref[...]
    idx = xb[:, 0:2].astype(jnp.int32)
    rate_idx = idx[:, 0:1]
    year_idx = idx[:, 1:2] + _TPAD
    iota = jax.lax.broadcasted_iota(jnp.int32, (xb.shape[0], 2 * _TPAD), 1)
    oh = jnp.logical_or(iota == rate_idx, iota == year_idx).astype(jnp.bfloat16)
    emb = jnp.dot(oh, tab_ref[...], preferred_element_type=jnp.float32)

    xf = xb.astype(jnp.bfloat16)
    gd = jnp.dot(xf, wc_ref[...], preferred_element_type=jnp.float32)
    gd = jax.nn.sigmoid(gd)

    out_ref[...] = jnp.concatenate([emb, gd], axis=1)


def kernel(rate_table, year_table, W_genre, W_director, x2):
    B = x2.shape[0]
    x8 = jnp.pad(x2.astype(jnp.int8), ((0, 0), (0, _XPAD - _X2_COLS)))
    tab = jnp.zeros((2 * _TPAD, 2 * _EMB), jnp.float32)
    tab = tab.at[:_N_RATE, :_EMB].set(rate_table)
    tab = tab.at[_TPAD:_TPAD + _N_YEAR, _EMB:].set(year_table)
    tab = tab.astype(jnp.bfloat16)
    wc = jnp.zeros((_XPAD, 2 * _EMB), jnp.float32)
    wc = wc.at[2:2 + _N_GENRE, :_EMB].set(W_genre.T)
    wc = wc.at[2 + _N_GENRE:_X2_COLS, _EMB:].set(W_director.T)
    wc = wc.astype(jnp.bfloat16)

    return pl.pallas_call(
        _tc_body,
        grid=(B // _BM,),
        in_specs=[
            pl.BlockSpec((_BM, _XPAD), lambda i: (i, 0)),
            pl.BlockSpec((_XPAD, 2 * _EMB), lambda i: (0, 0)),
            pl.BlockSpec((2 * _TPAD, 2 * _EMB), lambda i: (0, 0)),
        ],
        out_specs=pl.BlockSpec((_BM, 4 * _EMB), lambda i: (i, 0)),
        out_shape=jax.ShapeDtypeStruct((B, 4 * _EMB), jnp.float32),
    )(x8, wc, tab)

# --- scband reference (transcript-rebuilt; emitter-appended) ---
"""Pipeline reference for scband-item-loading-7052336300312 (READ-ONLY COPY).

The authoritative reference and input builder live on the scoring server;
editing this copy changes nothing except your own understanding.
"""

import jax, jax.numpy as jnp
import numpy as np

N_RATE = 6
N_YEAR = 91
N_GENRE = 25
N_DIRECTOR = 2186
EMB = 16
B = 16384
X2_COLS = 2 + N_GENRE + N_DIRECTOR  # 2213


def setup_inputs(seed: int = 0) -> dict:
    key = jax.random.key(seed)
    k1, k2, k3, k4, k5 = jax.random.split(key, 5)
    x2 = jax.random.randint(k1, (B, X2_COLS), 0, 6, dtype=jnp.int32)
    rate_table = jax.random.normal(k2, (N_RATE, EMB), dtype=jnp.float32)
    year_table = jax.random.normal(k3, (N_YEAR, EMB), dtype=jnp.float32)
    # torch Linear weight layout: [out_features, in_features]
    W_genre = (jax.random.uniform(k4, (EMB, N_GENRE), dtype=jnp.float32) - 0.5) * (2.0 / np.sqrt(N_GENRE))
    W_director = (jax.random.uniform(k5, (EMB, N_DIRECTOR), dtype=jnp.float32) - 0.5) * (2.0 / np.sqrt(N_DIRECTOR))
    return {
        "rate_table": rate_table,
        "year_table": year_table,
        "W_genre": W_genre,
        "W_director": W_director,
        "x2": x2,
    }


def reference(rate_table, year_table, W_genre, W_director, x2):
    rate_idx = x2[:, 0]
    year_idx = x2[:, 1]
    genre_idx = x2[:, 2:27].astype(jnp.float32)
    director_idx = x2[:, 27:].astype(jnp.float32)
    rate_emb = jnp.take(rate_table, rate_idx, axis=0)
    year_emb = jnp.take(year_table, year_idx, axis=0)
    genre_emb = jax.nn.sigmoid(genre_idx @ W_genre.T)
    director_emb = jax.nn.sigmoid(director_idx @ W_director.T)
    concat_emb = jnp.concatenate((rate_emb, year_emb, genre_emb, director_emb), axis=1)
    return concat_emb

if __name__ == "__main__":
    import jax
    _d = setup_inputs()
    print(jax.jit(kernel)(*tuple(_d.values())))

</pallas_src>

<mosaic_0001>
module attributes {stable_mosaic.version = 14 : i64} {
  func.func @_tc_body(%arg0: i32, %arg1: memref<1024x2304xi8, #tpu.memory_space<vmem>>, %arg2: memref<2304x32xbf16, #tpu.memory_space<vmem>>, %arg3: memref<256x32xbf16, #tpu.memory_space<vmem>>, %arg4: memref<1024x64xf32, #tpu.memory_space<vmem>>) attributes {dimension_semantics = [#tpu.dimension_semantics<arbitrary>], iteration_bounds = array<i64: 16>, scalar_prefetch = 0 : i64, scratch_operands = 0 : i64, tpu.core_type = #tpu.core_type<tc>, window_params = [{transform_indices = @transform_0, window_bounds = array<i64: 1024, 2304>}, {pipeline_mode = #tpu.pipeline_mode<synchronous>, transform_indices = @transform_1, window_bounds = array<i64: 2304, 32>}, {pipeline_mode = #tpu.pipeline_mode<synchronous>, transform_indices = @transform_2, window_bounds = array<i64: 256, 32>}, {transform_indices = @transform_3, window_bounds = array<i64: 1024, 64>}]} {
    %get3A = arith.constant 0 : index
    %get3A_0 = arith.constant 0 : index
    %get3A_1 = vector.load %arg1[%get3A, %get3A_0] : memref<1024x2304xi8, #tpu.memory_space<vmem>>, vector<1024x2304xi8>
    %slice3A = vector.extract_strided_slice %get3A_1 {offsets = [0, 0], sizes = [1024, 2], strides = [1, 1]} : vector<1024x2304xi8> to vector<1024x2xi8>
    %convert_element_type3A = arith.extsi %slice3A : vector<1024x2xi8> to vector<1024x2xi32>
    %slice3A_2 = vector.extract_strided_slice %convert_element_type3A {offsets = [0, 0], sizes = [1024, 1], strides = [1, 1]} : vector<1024x2xi32> to vector<1024x1xi32>
    %slice3A_3 = vector.extract_strided_slice %convert_element_type3A {offsets = [0, 1], sizes = [1024, 1], strides = [1, 1]} : vector<1024x2xi32> to vector<1024x1xi32>
    %add3A = arith.constant 128 : i32
    %add3A_4 = vector.broadcast %add3A : i32 to vector<1024x1xi32>
    %add3A_5 = arith.addi %slice3A_3, %add3A_4 : vector<1024x1xi32>
    %iota3A = tpu.iota {dimensions = array<i32: 1>} : vector<1024x256xi32>
    %eq3A = vector.broadcast %slice3A_2 : vector<1024x1xi32> to vector<1024x256xi32>
    %eq3A_6 = arith.cmpi eq, %iota3A, %eq3A : vector<1024x256xi32>
    %eq3A_7 = vector.broadcast %add3A_5 : vector<1024x1xi32> to vector<1024x256xi32>
    %eq3A_8 = arith.cmpi eq, %iota3A, %eq3A_7 : vector<1024x256xi32>
    %or3A = arith.ori %eq3A_6, %eq3A_8 : vector<1024x256xi1>
    %convert_element_type3A_9 = arith.extui %or3A : vector<1024x256xi1> to vector<1024x256xi32>
    %convert_element_type3A_10 = arith.sitofp %convert_element_type3A_9 : vector<1024x256xi32> to vector<1024x256xf32>
    %convert_element_type3A_11 = arith.truncf %convert_element_type3A_10 : vector<1024x256xf32> to vector<1024x256xbf16>
    %get3A_12 = arith.constant 0 : index
    %get3A_13 = arith.constant 0 : index
    %get3A_14 = vector.load %arg3[%get3A_12, %get3A_13] : memref<256x32xbf16, #tpu.memory_space<vmem>>, vector<256x32xbf16>
    %dot_general3A = arith.constant dense<0.000000e+00> : vector<1024x32xf32>
    %dot_general3A_15 = tpu.matmul %convert_element_type3A_11, %get3A_14, %dot_general3A {dimension_numbers = #tpu.dot_dimension_numbers<[1], [0], [0], [1], [0, 0, 1, 1], [], []>, transpose_lhs_hint = false} : vector<1024x256xbf16>, vector<256x32xbf16>, vector<1024x32xf32> -> vector<1024x32xf32>
    %convert_element_type3A_16 = arith.sitofp %get3A_1 : vector<1024x2304xi8> to vector<1024x2304xbf16>
    %get3A_17 = arith.constant 0 : index
    %get3A_18 = arith.constant 0 : index
    %get3A_19 = vector.load %arg2[%get3A_17, %get3A_18] : memref<2304x32xbf16, #tpu.memory_space<vmem>>, vector<2304x32xbf16>
    %dot_general3A_20 = arith.constant dense<0.000000e+00> : vector<1024x32xf32>
    %dot_general3A_21 = tpu.matmul %convert_element_type3A_16, %get3A_19, %dot_general3A_20 {dimension_numbers = #tpu.dot_dimension_numbers<[1], [0], [0], [1], [0, 0, 1, 1], [], []>, transpose_lhs_hint = false} : vector<1024x2304xbf16>, vector<2304x32xbf16>, vector<1024x32xf32> -> vector<1024x32xf32>
    %logistic3A = arith.negf %dot_general3A_21 : vector<1024x32xf32>
    %logistic3A_22 = math.exp %logistic3A : vector<1024x32xf32>
    %logistic3A_23 = arith.constant 1.000000e+00 : f32
    %logistic3A_24 = vector.broadcast %logistic3A_23 : f32 to vector<1024x32xf32>
    %logistic3A_25 = arith.addf %logistic3A_24, %logistic3A_22 : vector<1024x32xf32>
    %logistic3A_26 = arith.divf %logistic3A_24, %logistic3A_25 : vector<1024x32xf32>
    %concatenate3A = tpu.concatenate %dot_general3A_15, %logistic3A_26 in 1 : vector<1024x32xf32>, vector<1024x32xf32> -> vector<1024x64xf32>
    %swap3A = arith.constant 0 : index
    %swap3A_27 = arith.constant 0 : index
    %swap3A_28 = vector.load %arg4[%swap3A, %swap3A_27] : memref<1024x64xf32, #tpu.memory_space<vmem>>, vector<1024x64xf32>
    tpu.vector_store %arg4[%swap3A, %swap3A_27], %concatenate3A {strides = array<i32>} : memref<1024x64xf32, #tpu.memory_space<vmem>>, vector<1024x64xf32>,
    return
  }
  func.func @transform_0(%arg0: i32) -> (i32, i32) {
    %c0_i32 = arith.constant 0 : i32
    %c0_i32_0 = arith.constant 0 : i32
    return %arg0, %c0_i32 : i32, i32
  }
  func.func @transform_1(%arg0: i32) -> (i32, i32) {
    %c0_i32 = arith.constant 0 : i32
    %c0_i32_0 = arith.constant 0 : i32
    %c0_i32_1 = arith.constant 0 : i32
    return %c0_i32, %c0_i32_0 : i32, i32
  }
  func.func @transform_2(%arg0: i32) -> (i32, i32) {
    %c0_i32 = arith.constant 0 : i32
    %c0_i32_0 = arith.constant 0 : i32
    %c0_i32_1 = arith.constant 0 : i32
    return %c0_i32, %c0_i32_0 : i32, i32
  }
  func.func @transform_3(%arg0: i32) -> (i32, i32) {
    %c0_i32 = arith.constant 0 : i32
    %c0_i32_0 = arith.constant 0 : i32
    return %arg0, %c0_i32 : i32, i32
  }
}

</mosaic_0001>

<sc_bundles>
// kernel: sparse-core-data-format-call.cloned.1.call-start
scs
called_computation_lowered:
.L_overlay_start_0:
0x0: {  	s1 =	sld [smem:$0x3FD9]  }
0x1: {  	s2 =	sld [smem:$0x3FFE];
	_ =	sdelay $0x1  }
0x2: {  	s3 =	srdreg.scid  }
0x3: {  	s0 =	sand.u32 $0x1, s3  }
0x4: {  	s17 =	sshll.u32 s0, $0xA;
	s1 =	sadd.s32 s2, s1  }
0x5: {  	s1 =	sadd.s32 s1, s17  }
0x6: {  	[smem:$0x3FC3] =	sst s1  }
0x7: {  	_ = 	snop  }
0x8: {  	(tm) =	ssettm $0x1  }
0x9: {  	s18 =	sld [smem:$0x3FFB];
	_ =	sdelay $0x3  }
0xa: {  	_ =	strace s18  }
0xb: {  	s1 =	sld [smem:$0x3FFC];
	_ =	sdelay $0x3  }
0xc: {  	_ =	strace s1  }
0xd: {  	s1 =	sld [smem:$0x3FFD];
	_ =	sdelay $0x3  }
0xe: {  	_ =	strace s1  }
0xf: {  	_ =	strace $0x8FFFFFFF  }
0x10: {  	s19 =	sld [smem:$0x3FDB];
	_ =	sdelay $0x1  }
0x11: {  	s20 =	simm.s32 $_scs_section_size  }
0x12: {  	s4 =	simm.s32 $_size__tile_overlayer_lowered;
	s5 =	simm.s32 $_tile_overlayer_lowered  }
0x13: {  	s23 =	simm.s32 $0x1BFF;
	s22 =	sshll.u32 s5, $0x1;
	s1 =	sadd.s32 s20, s19  }
0x14: {  	s6 =	simm.s32 $0x0;
	s21 =	sshll.u32 s4, $0x1;
	s4 =	sadd.s32 s22, s1  }
0x15: {  	[timem:s6], [sflag:s23] =	dma.local [hbm:s4], s21  }
0x16: {  	_ =	swait.ge [sflag:s23], s21  }
0x17: {  	s2 =	ssub.s32 $0x0, s21;
	[sflag:s23] =	ssyncset.done $0x0  }
0x18: {  	[sflag:s23] =	ssyncadd.s32 s2;
	_ =	sdelay $0x1  }
0x19: {  	s24 =	simm.s32 $0x1B8B  }
0x1a: {  	_ =	swait.ge [sflag:s24], $0x1  }
0x1b: {  	[sflag:s24] =	ssyncset.done $0x0  }
0x1c: {  	s26 =	simm.s32 $0x1B8E;
	s25 =	sld [smem:$0x3FFE];
	[sflag:s24] =	ssyncadd.s32 $0xFFFFFFFF  }
0x1d: {  	s27 =	simm.s32 $execute0_lowered;
	[smem:$0x3FD2] =	sst s26  }
0x1e: {  	s4 =	sshll.u32 s27, $0x1;
	_ =	strace $0x80000046;
	[dreg:$0x1] =	wrdreg $0xFFFFFFFF  }
0x1f: {  	s28 =	simm.s32 $_size_execute0_lowered;
	s1 =	sadd.s32 s1, s4;
	[dreg:$0x0] =	wrdreg $0x0  }
0x20: {  	s4 =	sshll.u32 s28, $0x1;
	[dreg:$0x2] =	wrdreg s1  }
0x21: {  	[dreg:$0x3] =	wrdreg s4  }
0x22: {  	[dreg:$0x4] =	wrdreg $0xC0  }
0x23: {  	_ =	task [dreg:s6], $0x5FFFF  }
0x24: {  	[dreg:$0x1] =	wrdreg $0xFFFFFFFF  }
0x25: {  	[dreg:$0x0] =	wrdreg $0x60  }
0x26: {  	[dreg:$0x2] =	wrdreg s25  }
0x27: {  	[dreg:$0x3] =	wrdreg $0x9  }
0x28: {  	_ =	task.clear_ibuf [dreg:s6], $0x4FFFF;
	_ =	strace $0x90000046  }
0x29: {  	s29 =	simm.s32 $0x9;
	_ =	strace $0x80000048  }
0x2a: {  	_ =	swait.ge [sflag:s29], $0x1  }
0x2b: {  	[sflag:s29] =	ssyncadd.s32 $0xFFFFFFFF  }
0x2c: {  	_ =	strace $0x90000048  }
0x2d: {  	_ =	sfence  }
0x2e: {  	s30 =	sld [smem:$0x0];
	_ =	sdelay $0x2  }
0x2f: {  	s31 =	sshll.u32 s3, $0xD;
	s3 =	sshrl.u32 s3, $0x2  }
0x30: {  	s2 =	sand.u32 $0x4000, s31;
	s1 =	sadd.s32 s3, s30  }
0x31: {  	s0 =	sor.u32 s2, s0;
	s1 =	sshll.u32 s1, $0x11  }
0x32: {  	s0 =	sor.u32 s1, s0  }
0x33: {  	s0 =	sadd.s32 $0x8F2B, s0  }
0x34: {  	[sflag:s0] =	ssyncadd.remote.s32 $0x1  }
0x35: {  	_ =	sfence.sel $0xFFFF  }
0x36: {  	[dreg:$0x0] =	wrdreg $0xFFFFFFFF;
	(pc) =	sbr.abs _section_cstart, $3  }
0x37: {  	[dreg:$0x1] =	wrdreg $0xFFFFFFFF  }
0x38: {  	_ =	task.clear_ibuf [dreg:s6], $0x2FFFF;
	_ =	strace $0x9FFFFFFF  }
0x39: {  	(tm) =	ssettm $0x7FFFFFFF  }
tec
execute0_lowered:
.L_overlay_start_1:
0x0: {  	(tag) =	ssettag $0x1  }
0x1: {  	s0 =	srdreg.scid  }
0x2: {  	s1 =	sshll.u32 s0, $0x4  }
0x3: {  	s0 =	stileid.u32;
	s1 =	sand.u32 $0x10, s1  }
0x4: {  	s1 =	sor.u32 s0, s1  }
0x5: {  	s6 =	rddreg [dreg:$0x0];
	s7 =	simm.s32 $0x2;
	s2 =	sshll.u32 s1, $0x8  }
0x6: {  	s12 =	simm.s32 $0x0;
	s8 =	simm.s32 $0x4800;
	s1 =	ssub.s32 $0x4000, s2  }
0x7: {  	s13 =	simm.s32 $0x0;
	s10 =	simm.s32 $0x0;
	s3 =	sand.u32 $0x1F00, s1  }
0x8: {  	s11 =	simm.s32 $0x0;
	p0 =	sne.s32 s3, $0x0;
	s3 =	simm.s32 $0x1  }
.Ltmp0:
0x9: {  	s4 =	sshrl.u32 s1, $0xD;
	s3 =	simm.s32 @!p0 $0x0;
	(pc) =	sbr.rel .LBB1_1-.Ltmp0, $4  }
0xa: {  	s5 =	sadd.s32 $0xC00, s6;
	s1 =	rddreg [dreg:$0x1];
	s4 =	sadd.s32 s3, s4  }
0xb: {  	_ =	strace $0x80000047;
	s3 =	simm.s32 $0x1;
	s4 =	smul.u32 $0x12, s4  }
0xc: {  	s6 =	sadd.s32 $0x115C00, s6;
	s9 =	smov.u32 s2;
	[sflag:s3] =	ssyncpa.u1 $0x0  }
0xd: {  	p0 =	por $0x0, $0x0;
	[sflag:s7] =	ssyncpa.u1 $0x0;
	s7 =	sor.u32 $0x1, s4  }
.LBB1_4:
0xe: {  	s14 =	sshrl.u32 s12, $0x5  }
0xf: {  	[tilespmem:s15+$0xFFFFE7CD ss:$0x81] =	vst.msk $0xffff, v23;
	s17 =	sshll.u32 s13, $0x5;
	s14 =	smul.u32 $0x12000, s14  }
0x10: {  	[tilespmem:s15+$0xFFFFEFDD ss:$0x81] =	vst.msk $0xffff, v22;
	s18 =	sshll.u32 s12, $0x7;
	s17 =	sand.u32 $0xFFFFF000, s17  }
0x11: {  	s29 =	sshll.u32 s13, $0x2;
	[tilespmem:s15+$0xFFFFF7EE ss:$0x81] =	vst.msk $0xffff, v20;
	s28 =	sand.u32 $0xE00, s18;
	s14 =	sadd.s32 s17, s14  }
0x12: {  	v4 =	vpack.c.b16.b8 v13, v19;
	s13 =	sand.u32 $0x1FC, s29;
	[tilespmem:s15+$0xFFFFEFDE ss:$0x81] =	vst.msk $0xffff, v10;
	s14 =	sor.u32 s28, s14  }
0x13: {  	s30 =	sand.u32 $0x3, s12;
	[tilespmem:s15+$0xFFFFE7CE ss:$0x81] =	vst.msk $0xffff, v12;
	s13 =	sor.u32 s13, s14  }
0x14: {  	v57 =	vshrl.u32 v3, $0x10;
	v58 =	vshrl.u32 v2, $0x10;
	v59 =	vpack.c.b16.b8 v18, v21;
	[tilespmem:s15+$0xFFFFFFFD ss:$0x81] =	vst.msk $0xffff, v4;
	s12 =	sor.u32 s30, s13  }
0x15: {  	v8 =	vshrl.u32 v8, $0x18;
	v5 =	vshrl.u32 v5, $0x18;
	v0 =	vshrl.u32 v0, $0x18;
	[tilespmem:s15+$0xFFFFEFDF ss:$0x81] =	vst.msk $0xffff, v11;
	s31 =	smulhi.u32 $0x38E38E39, s12  }
0x16: {  	v1 =	vshrl.u32 v1, $0x18;
	v7 =	vshrl.u32 v7, $0x18;
	v13 =	vand.u32 $0xFF, v58;
	[tilespmem:s15+$0xFFFFF7EF ss:$0x81] =	vst.msk $0xffff, v59  }
0x17: {  	v5 =	vpack.c.b32.b16 v5, v6;
	v0 =	vpack.c.b32.b16 v1, v0;
	v4 =	vand.u32 $0xFF, v57;
	[tilespmem:s15+$0xFFFFFFFE ss:$0x81] =	vst.msk $0xffff, v14;
	s13 =	smulhi.u32 $0x38E38E39, s13;
	s14 =	sshrl.u32 s31, $0x9  }
0x18: {  	v60 =	vshrl.u32 v3, $0x18;
	v62 =	vshrl.u32 v2, $0x18;
	v4 =	vpack.c.b32.b16 v13, v4;
	[tilespmem:s15+$0xFFFFF7F0 ss:$0x81] =	vst.msk $0xffff, v9;
	s14 =	smul.u32 $0x900, s14  }
0x19: {  	v63 =	vpack.c.b32.b16 v7, v8;
	v1 =	vpack.c.b32.b16 v62, v60;
	v0 =	vpack.c.b16.b8 v5, v0;
	[tilespmem:s15+$0xFFFFFFFF ss:$0x81] =	vst.msk $0xffff, v16;
	s13 =	sshrl.u32 s13, $0x9  }
0x1a: {  	[tilespmem:s15+$0x0 ss:$0x81] =	vst.msk $0xffff, v17;
	v61 =	vpack.c.b16.b8 v4, v15;
	s13 =	sand.u32 $0x3FFF, s13;
	s12 =	ssub.s32 s12, s14  }
0x1b: {  	v1 =	vpack.c.b16.b8 v1, v63;
	[tilespmem:s15+$0xFFFFEFE0 ss:$0x81] =	vst.msk $0xffff, v0;
	s13 =	smul.u32 $0x48, s13;
	s14 =	sshrl.u32 s12, $0x5;
	s12 =	sshll.u32 s12, $0x10  }
0x1c: {  	[tilespmem:s15+$0xFFFFE7CF ss:$0x81] =	vst.msk $0xffff, v61;
	s14 =	sadd.s32 s6, s14;
	s12 =	sand.u32 $0x1C0000, s12  }
0x1d: {  	[tilespmem:s15+$0xFFFFE7D0 ss:$0x81] =	vst.msk $0xffff, v1;
	s13 =	sadd.s32 s13, s14;
	s12 =	sor.u32 $0x400, s12  }
0x1e: {  	[hbm4b:s13+s12] =	stream.strided.scatter [tilespmem:s16], [sflag:$0x2], $0x2000, s8, s12, $0x20;
	[tilespmem:$0x8080] =	vst v63  }
.LBB1_5:
0x1f: {  	s14 =	sadd.s32 $0x2000, s9  }
0x20: {  	s12 =	sadd.s32 $0x80, s10;
	s16 =	smov.u32 s10;
	p2 =	sgt.s32 s14, $0x3FFF  }
0x21: {  	s16 =	smov.u32 @p2 s12  }
0x22: {  	s14 =	smov.u32 @p2 s2;
	p2 =	sgt.s32 s16, $0x8A4  }
0x23: {  	s16 =	simm.s32 @p2 $0x0;
	p2 =	sne.s32 s11, s7  }
.Ltmp1:
0x24: {  	p1 =	slt.u32 s11, $0x2;
	(pc) =	sbr.rel @!p2 .LBB1_6-.Ltmp1, $4  }
0x25: {  	s15 =	simm.s32 @!p1 $0x2  }
0x26: {  	s13 =	smov.u32 s10;
	p0 =	por !p0, !p0;
	_ =	swait.ge @!p1 [sflag:s15], $0x2000  }
0x27: {  	s12 =	smov.u32 s9;
	[sflag:s15] =	ssyncset.done @!p1 $0x0;
	s9 =	smov.u32 s14  }
0x28: {  	s11 =	sadd.s32 $0x1, s11;
	[sflag:s15] =	ssyncadd.s32 @!p1 $0xFFFFE000;
	s10 =	smov.u32 s16  }
.LBB1_1:
0x29: {  	p1 =	sge.u32 s11, s4;
	s17 =	smov.u32 s10;
	s31 =	sadd.s32 $0xFFFFFFFF, s11  }
0x2a: {  	s14 =	sshll.u32 @!p1 s10, $0xE;
	s15 =	sshll.u32 @!p1 s9, $0x3;
	s16 =	sshll.u32 @!p1 s10, $0x7  }
0x2b: {  	p2 =	sgt.s32 @!p1 s10, $0x828;
	s18 =	sshra.s32 @!p1 s10, $0x1F;
	s19 =	sshra.s32 @!p1 s9, $0x1F  }
0x2c: {  	s14 =	sand.u32 @!p1 $0xFFFE0000, s14;
	s16 =	sand.u32 @!p1 $0x200, s16;
	p2 =	por !p2, p1  }
0x2d: {  	s18 =	sand.u32 @!p1 s18, s10;
	s19 =	sand.u32 @!p1 s19, s9;
	s14 =	sadd.s32 @!p1 s14, s15  }
0x2e: {  	s17 =	simm.s32 @p2 $0x828;
	p2 =	sgt.s32 @!p1 s9, $0x3F00;
	s15 =	sand.u32 @!p1 $0x3C00, s15  }
0x2f: {  	s17 =	ssub.s32 @!p1 s17, s18;
	p2 =	por !p2, p1;
	s18 =	smov.u32 s9  }
0x30: {  	s14 =	sshrl.u32 @!p1 s14, $0xE;
	s20 =	sadd.s32 @!p1 $0xFFFFF7D8, s17;
	s18 =	simm.s32 @p2 $0x3F00  }
0x31: {  	s17 =	ssub.s32 @!p1 $0x8A8, s17;
	p2 =	sgt.s32 @!p1 s20, $0x7F;
	s18 =	ssub.s32 @!p1 s18, s19  }
0x32: {  	s20 =	smulhi.u32 @!p1 $0x1D92F3, s14;
	p2 =	por !p2, p1;
	s19 =	sadd.s32 @!p1 $0xFFFFC100, s18  }
0x33: {  	s18 =	ssub.s32 @!p1 $0x4000, s18;
	s17 =	simm.s32 @!p2 $0x0;
	p2 =	sgt.s32 @!p1 s19, $0xFF  }
0x34: {  	s19 =	sshll.u32 @!p1 s9, $0x2;
	s20 =	smul.u32 @!p1 $0x8A8, s20;
	p2 =	por !p2, p1  }
0x35: {  	s15 =	sor.u32 @!p1 s16, s15;
	s16 =	sand.u32 @!p1 $0x1E0, s19;
	s18 =	simm.s32 @!p2 $0x0  }
0x36: {  	s15 =	sor.u32 @!p1 s16, s15;
	s14 =	ssub.s32 @!p1 s14, s20;
	s17 =	smul.u32 @!p1 s17, s18  }
0x37: {  	s18 =	sxor.u32 @!p1 $0xFFFFFFFF, s11;
	s15 =	sshrl.u32 @!p1 s15, $0x5;
	s14 =	sshll.u32 @!p1 s14, $0x9  }
0x38: {  	s15 =	sadd.s32 @!p1 s5, s15;
	s16 =	sshrl.u32 @!p1 s17, $0x2;
	s17 =	sand.u32 @!p1 $0x7, s9  }
0x39: {  	s14 =	sadd.s32 @!p1 s14, s15;
	s15 =	sshll.u32 @!p1 s18, $0xD;
	s17 =	sshll.u32 @!p1 s17, $0x12  }
0x3a: {  	s18 =	simm.s32 @!p1 $0x8000;
	s15 =	sand.u32 @!p1 $0x2000, s15;
	s17 =	sor.u32 @!p1 $0x200, s17  }
0x3b: {  	[tilespmem:s15], [sflag:$0x1] =	stream.strided.gather @!p1 [hbm4b:s14+s17], s16, s18, s17, $0x38;
	[tilespmem:$0x8080] =	vst v63  }
0x3c: {  	p1 =	sge.u32 s31, s4  }
.Ltmp2:
0x3d: {  	_ = 	snop;
	(pc) =	sbr.rel @p1 .LBB1_5-.Ltmp2, $1  }
0x3e: {  	_ =	sdelay $0x3  }
0x3f: {  	p1 =	sgt.s32 s13, $0x828  }
0x40: {  	s14 =	smov.u32 s13;
	s15 =	sshra.s32 s13, $0x1F;
	s16 =	smov.u32 s12  }
0x41: {  	s17 =	sshra.s32 s12, $0x1F;
	s14 =	simm.s32 @!p1 $0x828;
	p1 =	sgt.s32 s12, $0x3F00  }
0x42: {  	s15 =	sand.u32 s15, s13;
	s23 =	sand.u32 s17, s12;
	s16 =	simm.s32 @!p1 $0x3F00  }
0x43: {  	s14 =	ssub.s32 s14, s15;
	s15 =	ssub.s32 s16, s23  }
0x44: {  	s24 =	sadd.s32 $0xFFFFF7D8, s14;
	s14 =	ssub.s32 $0x8A8, s14;
	s16 =	sadd.s32 $0xFFFFC100, s15  }
0x45: {  	p1 =	sgt.s32 s24, $0x7F;
	s15 =	ssub.s32 $0x4000, s15;
	p2 =	sgt.s32 s16, $0xFF  }
0x46: {  	s14 =	simm.s32 @p1 $0x0;
	s15 =	simm.s32 @p2 $0x0  }
0x47: {  	s26 =	simm.s32 $0x0;
	s14 =	smul.u32 s14, s15  }
0x48: {  	s25 =	sand.u32 $0x1, s11;
	s18 =	sand.u32 $0x7800, s26  }
0x49: {  	s18 =	sshrl.u32 s18, $0x2;
	s16 =	sand.u32 $0x200, s26;
	s14 =	sshrl.u32 s14, $0x2  }
0x4a: {  	s27 =	ssub.s32 $0x0, s14;
	_ =	swait.ge [sflag:s3], s14;
	s14 =	sshll.u32 s25, $0xD  }
0x4b: {  	s16 =	sshrl.u32 s16, $0x2;
	[sflag:s3] =	ssyncset.done $0x0;
	s18 =	sadd.s32 s18, s14  }
0x4c: {  	[sflag:s3] =	ssyncadd.s32 s27;
	s16 =	sadd.s32 s16, s18  }
0x4d: {  	v1 =	vld [tilespmem:s16+$0x50]  }
0x4e: {  	v9 =	vld [tilespmem:s16+$0x60]  }
0x4f: {  	v0 =	vld [tilespmem:s16+$0x40]  }
0x50: {  	v2 =	vld [tilespmem:s16+$0x30]  }
0x51: {  	v5 =	vld [tilespmem:s16+$0x70]  }
0x52: {  	v3 =	vld [tilespmem:s16+$0x20]  }
0x53: {  	v7 =	vld [tilespmem:s16+$0x10]  }
0x54: {  	v4 =	vmov s14;
	v8 =	vld [tilespmem:s16+$0x0]  }
0x55: {  	v11 =	vshrl.u32 v1, $0x10;
	v6 =	vshrl.u32 v9, $0x18;
	v10 =	vshrl.u32 v9, $0x10  }
0x56: {  	s17 =	simm.s32 $0x1;
	p1 =	por $0x0, $0x0;
	v12 =	vshrl.u32 v9, $0x8;
	v13 =	vshrl.u32 v0, $0x10;
	v14 =	vshrl.u32 v0, $0x8  }
0x57: {  	s17 =	simm.s32 @!p1 $0x0;
	v15 =	vshrl.u32 v2, $0x8;
	v16 =	vand.u32 $0xFF, v2;
	v18 =	vshrl.u32 v5, $0x10  }
0x58: {  	s17 =	sshll.u32 s17, $0x9;
	v19 =	vshrl.u32 v5, $0x8;
	v21 =	vshrl.u32 v3, $0x8;
	v23 =	vshrl.u32 v7, $0x10  }
0x59: {  	s17 =	sadd.s32 $0x0, s17;
	v24 =	vshrl.u32 v7, $0x8;
	v27 =	vshrl.u32 v8, $0x10;
	v28 =	vand.u32 $0xFF, v3  }
0x5a: {  	s17 =	sshrl.u32 s17, $0x2;
	v31 =	vand.u32 $0xFF, v7;
	v35 =	vand.u32 $0xFF, v8;
	v9 =	vand.u32 $0xFF, v9  }
0x5b: {  	s28 =	sand.u32 $0x1E80, s17;
	v48 =	vand.u32 $0xFF, v0;
	v56 =	vand.u32 $0xFF, v5;
	v17 =	vand.u32 $0xFF, v13  }
0x5c: {  	v20 =	vld.idx.msk [tilespmem:v4+s28+$0x140 ss:$0x1], $0xffff;
	v15 =	vand.u32 $0xFF, v15;
	v10 =	vand.u32 $0xFF, v10;
	v18 =	vand.u32 $0xFF, v18  }
0x5d: {  	v22 =	vld.idx.msk [tilespmem:v4+s28+$0x130 ss:$0x1], $0xffff;
	v26 =	vand.u32 $0xFF, v23;
	v12 =	vand.u32 $0xFF, v12;
	v14 =	vand.u32 $0xFF, v14  }
0x5e: {  	v29 =	vld.idx.msk [tilespmem:v4+s28+$0x110 ss:$0x1], $0xffff;
	v28 =	vpack.c.b32.b16 v16, v28;
	v21 =	vand.u32 $0xFF, v21;
	v19 =	vand.u32 $0xFF, v19  }
0x5f: {  	v34 =	vld.idx.msk [tilespmem:v4+s28+$0x100 ss:$0x1], $0xffff;
	v60 =	vpack.c.b32.b16 v56, v9;
	v11 =	vand.u32 $0xFF, v11;
	v24 =	vand.u32 $0xFF, v24  }
0x60: {  	v37 =	vld.idx.msk [tilespmem:v4+s28+$0x170 ss:$0x1], $0xffff;
	v63 =	vpack.c.b32.b16 v31, v35;
	v25 =	vpack.c.b32.b16 v18, v10;
	v18 =	vshrl.u32 v8, $0x8  }
0x61: {  	v12 =	vpack.c.b32.b16 v19, v12;
	v19 =	vand.u32 $0xFF, v1;
	v15 =	vpack.c.b32.b16 v15, v21  }
0x62: {  	v11 =	vpack.c.b32.b16 v11, v17;
	v32 =	vshrl.u32 v20, $0x10;
	v33 =	vshrl.u32 v20, $0x8  }
0x63: {  	v36 =	vand.u32 $0xFF, v22;
	v38 =	vand.u32 $0xFF, v18;
	v42 =	vshrl.u32 v29, $0x8  }
0x64: {  	v44 =	vshrl.u32 v22, $0x18;
	v45 =	vshrl.u32 v29, $0x10;
	v46 =	vshrl.u32 v20, $0x18  }
0x65: {  	v47 =	vshrl.u32 v34, $0x10;
	v49 =	vshrl.u32 v37, $0x18;
	v50 =	vshrl.u32 v34, $0x8  }
0x66: {  	v51 =	vshrl.u32 v22, $0x8;
	v22 =	vshrl.u32 v22, $0x10;
	v53 =	vshrl.u32 v29, $0x18  }
0x67: {  	v13 =	vld.idx.msk [tilespmem:v4+s28+$0x160 ss:$0x1], $0xffff;
	v20 =	vand.u32 $0xFF, v20;
	v55 =	vand.u32 $0xFF, v37;
	v57 =	vand.u32 $0xFF, v34  }
0x68: {  	v23 =	vld.idx.msk [tilespmem:v4+s28+$0x120 ss:$0x1], $0xffff;
	v29 =	vand.u32 $0xFF, v29;
	v59 =	vpack.c.b32.b16 v19, v48;
	v42 =	vand.u32 $0xFF, v42  }
0x69: {  	v10 =	vld.idx.msk [tilespmem:v4+s28+$0x150 ss:$0x1], $0xffff;
	v47 =	vand.u32 $0xFF, v47;
	v50 =	vand.u32 $0xFF, v50;
	v33 =	vand.u32 $0xFF, v33  }
0x6a: {  	v51 =	vand.u32 $0xFF, v51;
	v32 =	vand.u32 $0xFF, v32;
	v62 =	vand.u32 $0xFF, v45  }
0x6b: {  	v24 =	vpack.c.b32.b16 v24, v38;
	v11 =	vpack.c.b16.b8 v25, v11;
	v21 =	vpack.c.b32.b16 v42, v50  }
0x6c: {  	v16 =	vshrl.u32 v13, $0x10;
	v30 =	vshrl.u32 v13, $0x8;
	v41 =	vshrl.u32 v13, $0x18  }
0x6d: {  	v43 =	vshrl.u32 v23, $0x8;
	v54 =	vand.u32 $0xFF, v23;
	v13 =	vand.u32 $0xFF, v13  }
0x6e: {  	v18 =	vshrl.u32 v10, $0x10;
	v39 =	vand.u32 $0xFF, v10;
	v40 =	vshrl.u32 v10, $0x8  }
0x6f: {  	v43 =	vand.u32 $0xFF, v43;
	v16 =	vand.u32 $0xFF, v16;
	v52 =	vshrl.u32 v10, $0x18  }
0x70: {  	v10 =	vshrl.u32 v37, $0x10;
	v30 =	vand.u32 $0xFF, v30;
	v13 =	vpack.c.b32.b16 v55, v13  }
0x71: {  	v36 =	vpack.c.b32.b16 v36, v54;
	v18 =	vand.u32 $0xFF, v18;
	v40 =	vand.u32 $0xFF, v40  }
0x72: {  	v58 =	vand.u32 $0xFF, v10;
	v32 =	vpack.c.b32.b16 v18, v32;
	v18 =	vshrl.u32 v1, $0x8  }
0x73: {  	v10 =	vshrl.u32 v37, $0x8;
	v51 =	vpack.c.b32.b16 v51, v43;
	v18 =	vand.u32 $0xFF, v18  }
0x74: {  	s16 =	simm.s32 $0x1;
	v19 =	vpack.c.b32.b16 v39, v20;
	v33 =	vpack.c.b32.b16 v40, v33;
	v9 =	vpack.c.b32.b16 v18, v14  }
0x75: {  	s16 =	simm.s32 @!p0 $0x0;
	v61 =	vand.u32 $0xFF, v10;
	v14 =	vand.u32 $0xFF, v22;
	v22 =	vpack.c.b32.b16 v29, v57  }
0x76: {  	s16 =	smul.u32 $0x8100, s16;
	v18 =	vshrl.u32 v23, $0x10;
	v10 =	vpack.c.b16.b8 v12, v9;
	v9 =	vpack.c.b32.b16 v61, v30  }
0x77: {  	v12 =	vand.u32 $0xFF, v18;
	v20 =	vpack.c.b16.b8 v36, v22;
	v22 =	vpack.c.b32.b16 v52, v46  }
0x78: {  	s30 =	sshrl.u32 s16, $0x2;
	v18 =	vpack.c.b32.b16 v14, v12;
	v12 =	vpack.c.b32.b16 v58, v16;
	v16 =	vshrl.u32 v23, $0x18  }
0x79: {  	s15 =	sadd.s32 $0x5833, s30;
	v23 =	vpack.c.b32.b16 v49, v41;
	v14 =	vpack.c.b16.b8 v9, v33;
	v9 =	vshrl.u32 v34, $0x18  }
0x7a: {  	s29 =	smul.u32 $0x8100, s25;
	v16 =	vpack.c.b32.b16 v44, v16;
	[tilespmem:s15+$0xFFFFF7ED ss:$0x81] =	vst.msk $0xffff, v20;
	v20 =	vpack.c.b16.b8 v51, v21;
	v9 =	vpack.c.b32.b16 v53, v9  }
0x7b: {  	s20 =	simm.s32 $0x400;
	v21 =	vpack.c.b32.b16 v62, v47;
	v17 =	vpack.c.b16.b8 v23, v22;
	v22 =	vand.u32 $0xFF, v27  }
0x7c: {  	s31 =	sshrl.u32 s29, $0x2;
	p1 =	por !p1, !p1;
	s17 =	simm.s32 $0x0;
	v23 =	vpack.c.b16.b8 v28, v63;
	v9 =	vpack.c.b16.b8 v16, v9;
	v16 =	vpack.c.b16.b8 v12, v32  }
0x7d: {  	s18 =	simm.s32 $0x200;
	s16 =	sor.u32 $0x4000, s31;
	s19 =	sadd.s32 $0x4, s15;
	v12 =	vpack.c.b16.b8 v15, v24;
	v15 =	vpack.c.b32.b16 v26, v22;
	v22 =	vpack.c.b16.b8 v60, v59  }
.LBB1_3:
0x7e: {  	s21 =	simm.s32 $0x1  }
0x7f: {  	s22 =	sand.u32 $0x7800, s20;
	s17 =	sadd.s32 $0x4, s17;
	v24 =	vshrl.u32 v3, $0x10;
	v25 =	vshrl.u32 v2, $0x10;
	[tilespmem:s15+$0xFFFFE7CD ss:$0x81] =	vst.msk $0xffff, v23;
	v13 =	vpack.c.b16.b8 v13, v19;
	s21 =	simm.s32 @!p1 $0x0  }
0x80: {  	s23 =	sand.u32 $0x200, s18;
	v18 =	vpack.c.b16.b8 v18, v21;
	s22 =	sshrl.u32 s22, $0x2;
	v19 =	vand.u32 $0xFF, v24;
	v23 =	vand.u32 $0xFF, v25;
	s21 =	sshll.u32 s21, $0x9;
	[tilespmem:s15+$0xFFFFEFDD ss:$0x81] =	vst.msk $0xffff, v22  }
0x81: {  	v8 =	vshrl.u32 v8, $0x18;
	v5 =	vshrl.u32 v5, $0x18;
	s23 =	sshrl.u32 s23, $0x2;
	s22 =	sadd.s32 s22, s14;
	v19 =	vpack.c.b32.b16 v23, v19;
	s21 =	sadd.s32 s21, s20;
	[tilespmem:s15+$0xFFFFFFFD ss:$0x81] =	vst.msk $0xffff, v13  }
0x82: {  	v7 =	vshrl.u32 v7, $0x18;
	p2 =	slt.u32 s17, $0x7C;
	v6 =	vpack.c.b32.b16 v5, v6;
	s22 =	sadd.s32 s23, s22;
	v13 =	vshrl.u32 v3, $0x18;
	s21 =	sshrl.u32 s21, $0x2;
	[tilespmem:s15+$0xFFFFF7EE ss:$0x81] =	vst.msk $0xffff, v20  }
0x83: {  	v3 =	vshrl.u32 v0, $0x18;
	v15 =	vpack.c.b16.b8 v19, v15;
	v19 =	vpack.c.b32.b16 v7, v8;
	v20 =	vld [tilespmem:s22+$0x50];
	s21 =	sand.u32 $0x1E80, s21;
	[tilespmem:s15+$0xFFFFFFFE ss:$0x81] =	vst.msk $0xffff, v14  }
0x84: {  	v14 =	vld [tilespmem:s22+$0x60];
	[tilespmem:s15+$0xFFFFFFFF ss:$0x81] =	vst.msk $0xffff, v16  }
0x85: {  	v1 =	vshrl.u32 v1, $0x18;
	v0 =	vld [tilespmem:s22+$0x40];
	[tilespmem:s15+$0xFFFFEFDE ss:$0x81] =	vst.msk $0xffff, v10  }
0x86: {  	v7 =	vpack.c.b32.b16 v1, v3;
	v10 =	vld [tilespmem:s22+$0x30];
	[tilespmem:s15+$0x0 ss:$0x81] =	vst.msk $0xffff, v17  }
0x87: {  	v2 =	vshrl.u32 v2, $0x18;
	v5 =	vld [tilespmem:s22+$0x70];
	[tilespmem:s15+$0xFFFFEFDF ss:$0x81] =	vst.msk $0xffff, v11  }
0x88: {  	v22 =	vpack.c.b32.b16 v2, v13;
	v13 =	vpack.c.b16.b8 v6, v7;
	v3 =	vld [tilespmem:s22+$0x20];
	v11 =	vshrl.u32 v20, $0x10;
	[tilespmem:s15+$0xFFFFE7CE ss:$0x81] =	vst.msk $0xffff, v12;
	v1 =	vmovc v20  }
0x89: {  	v7 =	vld [tilespmem:s22+$0x10];
	v6 =	vshrl.u32 v14, $0x18;
	v16 =	vshrl.u32 v14, $0x10;
	v20 =	vshrl.u32 v14, $0x8;
	[tilespmem:s15+$0xFFFFF7EF ss:$0x81] =	vst.msk $0xffff, v18  }
0x8a: {  	v8 =	vld [tilespmem:s22+$0x0];
	v12 =	vshrl.u32 v0, $0x10;
	v18 =	vshrl.u32 v0, $0x8;
	[tilespmem:s15+$0xFFFFE7CF ss:$0x81] =	vst.msk $0xffff, v15;
	v15 =	vpack.c.b16.b8 v22, v19  }
0x8b: {  	v17 =	vshrl.u32 v10, $0x8;
	v19 =	vand.u32 $0xFF, v10;
	v12 =	vand.u32 $0xFF, v12;
	v21 =	vld.idx.msk [tilespmem:v4+s21+$0x160 ss:$0x1], $0xffff;
	[tilespmem:s15+$0xFFFFEFE0 ss:$0x81] =	vst.msk $0xffff, v13;
	v2 =	vmovc v10  }
0x8c: {  	v17 =	vand.u32 $0xFF, v17;
	v10 =	vshrl.u32 v5, $0x10;
	v13 =	vshrl.u32 v5, $0x8;
	v22 =	vld.idx.msk [tilespmem:v4+s21+$0x140 ss:$0x1], $0xffff;
	[tilespmem:s15+$0xFFFFF7F0 ss:$0x81] =	vst.msk $0xffff, v9  }
0x8d: {  	v16 =	vand.u32 $0xFF, v16;
	v23 =	vshrl.u32 v3, $0x8;
	v10 =	vand.u32 $0xFF, v10;
	v24 =	vld.idx.msk [tilespmem:v4+s21+$0x130 ss:$0x1], $0xffff;
	[tilespmem:s15+$0xFFFFE7D0 ss:$0x81] =	vst.msk $0xffff, v15;
	s15 =	smov.u32 s19  }
0x8e: {  	v15 =	vshrl.u32 v7, $0x10;
	v9 =	vshrl.u32 v7, $0x8;
	v16 =	vpack.c.b32.b16 v10, v16;
	v10 =	vld.idx.msk [tilespmem:v4+s21+$0x150 ss:$0x1], $0xffff  }
0x8f: {  	v20 =	vand.u32 $0xFF, v20;
	v25 =	vshrl.u32 v8, $0x8;
	v15 =	vand.u32 $0xFF, v15;
	v26 =	vld.idx.msk [tilespmem:v4+s21+$0x120 ss:$0x1], $0xffff  }
0x90: {  	v18 =	vand.u32 $0xFF, v18;
	v28 =	vand.u32 $0xFF, v3;
	v27 =	vshrl.u32 v8, $0x10;
	v29 =	vld.idx.msk [tilespmem:v4+s21+$0x110 ss:$0x1], $0xffff  }
0x91: {  	v28 =	vpack.c.b32.b16 v19, v28;
	v19 =	vshrl.u32 v21, $0x10;
	v30 =	vshrl.u32 v21, $0x8  }
0x92: {  	v31 =	vand.u32 $0xFF, v7;
	v33 =	vshrl.u32 v22, $0x10;
	v34 =	vshrl.u32 v22, $0x8;
	v32 =	vld.idx.msk [tilespmem:v4+s21+$0x100 ss:$0x1], $0xffff  }
0x93: {  	v14 =	vand.u32 $0xFF, v14;
	v35 =	vand.u32 $0xFF, v8;
	v36 =	vand.u32 $0xFF, v24;
	v37 =	vld.idx.msk [tilespmem:v4+s21+$0x170 ss:$0x1], $0xffff  }
0x94: {  	v25 =	vand.u32 $0xFF, v25;
	v38 =	vshrl.u32 v10, $0x10;
	v39 =	vand.u32 $0xFF, v10  }
0x95: {  	v41 =	vshrl.u32 v21, $0x18;
	v40 =	vshrl.u32 v10, $0x8;
	v38 =	vand.u32 $0xFF, v38  }
0x96: {  	v44 =	vshrl.u32 v24, $0x18;
	v43 =	vshrl.u32 v26, $0x8;
	v42 =	vshrl.u32 v29, $0x8  }
0x97: {  	v46 =	vshrl.u32 v22, $0x18;
	v45 =	vshrl.u32 v29, $0x10;
	v42 =	vand.u32 $0xFF, v42  }
0x98: {  	v23 =	vand.u32 $0xFF, v23;
	v43 =	vand.u32 $0xFF, v43;
	v47 =	vshrl.u32 v32, $0x10  }
0x99: {  	v48 =	vand.u32 $0xFF, v0;
	v49 =	vand.u32 $0xFF, v19;
	v50 =	vshrl.u32 v37, $0x18  }
0x9a: {  	v13 =	vand.u32 $0xFF, v13;
	v51 =	vshrl.u32 v24, $0x8;
	v19 =	vshrl.u32 v32, $0x8  }
0x9b: {  	v24 =	vshrl.u32 v24, $0x10;
	v52 =	vshrl.u32 v10, $0x18;
	v10 =	vshrl.u32 v37, $0x10  }
0x9c: {  	v30 =	vand.u32 $0xFF, v30;
	v53 =	vshrl.u32 v29, $0x18;
	v47 =	vand.u32 $0xFF, v47  }
0x9d: {  	v34 =	vand.u32 $0xFF, v34;
	v54 =	vand.u32 $0xFF, v19;
	v19 =	vand.u32 $0xFF, v26  }
0x9e: {  	v22 =	vand.u32 $0xFF, v22;
	v33 =	vand.u32 $0xFF, v33;
	v51 =	vand.u32 $0xFF, v51  }
0x9f: {  	v21 =	vand.u32 $0xFF, v21;
	v40 =	vand.u32 $0xFF, v40;
	v55 =	vand.u32 $0xFF, v37  }
0xa0: {  	v56 =	vand.u32 $0xFF, v5;
	v29 =	vand.u32 $0xFF, v29;
	v57 =	vand.u32 $0xFF, v32  }
0xa1: {  	v20 =	vpack.c.b32.b16 v13, v20;
	v58 =	vand.u32 $0xFF, v10;
	v10 =	vshrl.u32 v37, $0x8  }
0xa2: {  	v37 =	vpack.c.b32.b16 v51, v43;
	v13 =	vpack.c.b32.b16 v55, v21;
	v21 =	vpack.c.b32.b16 v38, v33  }
0xa3: {  	v34 =	vpack.c.b32.b16 v40, v34;
	v33 =	vshrl.u32 v1, $0x8;
	v38 =	vand.u32 $0xFF, v1  }
0xa4: {  	v36 =	vpack.c.b32.b16 v36, v19;
	v33 =	vand.u32 $0xFF, v33;
	v38 =	vpack.c.b32.b16 v38, v48  }
0xa5: {  	v40 =	vpack.c.b32.b16 v56, v14;
	v14 =	vpack.c.b32.b16 v33, v18;
	v18 =	vand.u32 $0xFF, v24  }
0xa6: {  	v29 =	vpack.c.b32.b16 v29, v57;
	v24 =	vshrl.u32 v26, $0x10;
	v33 =	vand.u32 $0xFF, v10  }
0xa7: {  	v19 =	vpack.c.b32.b16 v39, v22;
	v10 =	vpack.c.b16.b8 v20, v14;
	v14 =	vpack.c.b32.b16 v33, v30  }
0xa8: {  	v22 =	vpack.c.b16.b8 v36, v29;
	v30 =	vand.u32 $0xFF, v45;
	v20 =	vand.u32 $0xFF, v24  }
0xa9: {  	v18 =	vpack.c.b32.b16 v18, v20;
	v20 =	vpack.c.b32.b16 v58, v49;
	v14 =	vpack.c.b16.b8 v14, v34  }
0xaa: {  	v24 =	vpack.c.b32.b16 v17, v23;
	v17 =	vshrl.u32 v32, $0x18;
	v23 =	vshrl.u32 v26, $0x18;
	[tilespmem:s19+$0xFFFFF7ED ss:$0x81] =	vst.msk $0xffff, v22  }
0xab: {  	v26 =	vpack.c.b32.b16 v42, v54;
	v17 =	vpack.c.b32.b16 v53, v17;
	v22 =	vpack.c.b32.b16 v44, v23  }
0xac: {  	v11 =	vand.u32 $0xFF, v11;
	v29 =	vpack.c.b32.b16 v50, v41;
	v23 =	vpack.c.b32.b16 v52, v46  }
.Ltmp3:
0xad: {  	v11 =	vpack.c.b32.b16 v11, v12;
	v32 =	vand.u32 $0xFF, v9;
	v9 =	vpack.c.b16.b8 v22, v17;
	(pc) =	sbr.rel @p2 .LBB1_3-.Ltmp3, $4  }
0xae: {  	v12 =	vpack.c.b32.b16 v31, v35;
	v22 =	vpack.c.b32.b16 v32, v25;
	v17 =	vpack.c.b16.b8 v29, v23  }
0xaf: {  	v11 =	vpack.c.b16.b8 v16, v11;
	v16 =	vpack.c.b16.b8 v20, v21;
	v25 =	vand.u32 $0xFF, v27  }
0xb0: {  	s18 =	sadd.s32 $0x200, s18;
	v23 =	vpack.c.b16.b8 v28, v12;
	v15 =	vpack.c.b32.b16 v15, v25;
	v12 =	vpack.c.b16.b8 v24, v22  }
0xb1: {  	p1 =	por !p1, !p1;
	s20 =	sadd.s32 $0x400, s20;
	v20 =	vpack.c.b16.b8 v37, v26;
	v21 =	vpack.c.b32.b16 v30, v47;
	s19 =	sadd.s32 $0x4, s19;
	v22 =	vpack.c.b16.b8 v40, v38  }
.Ltmp4:
0xb2: {  	_ = 	snop;
	(pc) =	sbr.rel .LBB1_4-.Ltmp4, $1  }
0xb3: {  	_ =	sdelay $0x3  }
.LBB1_6:
0xb4: {  	_ =	sfence.sel $0x180000  }
0xb5: {  	s2 =	simm.s32 $0x1;
	[bflag:$0x0] =	sbarrier.arrive $0xFFFF  }
0xb6: {  	s31 =	simm.s32 $0x2;
	[sflag:s2] =	ssyncpa.u1 $0x1  }
0xb7: {  	[sflag:s31] =	ssyncpa.u1 $0x1  }
0xb8: {  	p0 =	sne.s32 s0, $0x0;
	_ =	strace $0x90000047  }
0xb9: {  	s0 =	sadd.s32 @!p0 $0x100000, s1;
	[bflag:$0x2] =	sbarrier.arrive $0xFFFF  }
0xba: {  	[sflag:s0] =	ssyncadd.tile.s32 @!p0 $0x1;
	_ =	shalt  }
.Lfunc_end1:
_tile_overlayer_lowered:
.L_overlay_start_2:
0xbb: {  	(tag) =	ssettag $0x2  }
0xbc: {  	s0 =	rddreg [dreg:$0x0];
	s2 =	stileid.u32  }
0xbd: {  	s1 =	rddreg [dreg:$0x1];
	p0 =	sne.s32 s2, $0x0  }
0xbe: {  	s3 =	rddreg [dreg:$0x2];
	[bflag:$0x3] =	sbarrier.arrive $0xFFFF;
	s2 =	simm.s32 @!p0 $0x1C01  }
0xbf: {  	[timem:s3], [sflag:s2] =	dma.local @!p0 [hbm:s0], s1  }
0xc0: {  	s0 =	simm.s32 @!p0 $0x1  }
0xc1: {  	_ =	swait.ge @!p0 [sflag:s0], s1  }
0xc2: {  	s1 =	ssub.s32 @!p0 $0x0, s1;
	[sflag:s0] =	ssyncset.done @!p0 $0x0  }
0xc3: {  	[sflag:s0] =	ssyncadd.s32 @!p0 s1  }
0xc4: {  	[bflag:$0x3] =	sbarrier.arrive $0xFFFF  }
0xc5: {  	_ =	shalt  }

</sc_bundles>
